<compile_context>
chip_gen: v7x
topology: tpu7x:2x2x1
jax: 0.10.2.dev20260603
libtpu: 0.0.44.dev20260713+nightly
codegen_flags: <defaults>
</compile_context>

<pallas_src>
import functools

import jax
import jax.numpy as jnp
from jax import lax
from jax.experimental import pallas as pl
from jax.experimental.pallas import tpu as pltpu
from jax.experimental.pallas import tpu_sc as plsc

B = 16384
N_ROWS = 1000000
D = 32
V = 1000
L = 20
_G = 128
_RPG = _G // D
_NPACK = N_ROWS // _RPG

_NC = 2
_NS = 16
_NW = _NC * _NS
_BPW = B // _NW
_CHUNK = 128
_NCHUNK = _BPW // _CHUNK


def _sc_gather_body(user_packed, uids, item_packed, iids, ue_out, ie_out,
                    idx, rows, sem):
  wid = lax.axis_index("s") * _NC + lax.axis_index("c")
  base = wid * _BPW
  row0 = wid * _NCHUNK
  for table, ids, out in ((user_packed, uids, ue_out),
                          (item_packed, iids, ie_out)):
    pltpu.sync_copy(ids.at[pl.ds(row0, _NCHUNK)], idx)
    copies = []
    for j in range(_NCHUNK):
      copies.append(pltpu.async_copy(
          table.at[idx.at[j]], rows.at[pl.ds(j * _CHUNK, _CHUNK)], sem))
    for c in copies:
      c.wait()
    pltpu.sync_copy(rows, out.at[pl.ds(base, _BPW)])


@functools.partial(
    pl.kernel,
    out_type=(jax.ShapeDtypeStruct((B, _G), jnp.float32),
              jax.ShapeDtypeStruct((B, _G), jnp.float32)),
    mesh=plsc.VectorSubcoreMesh(core_axis_name="c", subcore_axis_name="s"),
    scratch_types=[
        pltpu.VMEM((_NCHUNK, _CHUNK), jnp.int32),
        pltpu.VMEM((_BPW, _G), jnp.float32),
        pltpu.SemaphoreType.DMA,
    ],
)
def _sc_gather(*args):
  _sc_gather_body(*args)


_TB = 1024


def _tc_body(lens_ref, uoff_ref, ioff_ref, ue_ref, ie_ref, wext_ref,
             logits_ref, mask_ref):
  col = lax.broadcasted_iota(jnp.int32, (_TB, _G), 1) // D
  mu = (col == uoff_ref[...]).astype(jnp.float32)
  mi = (col == ioff_ref[...]).astype(jnp.float32)
  e = jnp.concatenate([ue_ref[...] * mu, ie_ref[...] * mi], axis=1)
  logits_ref[...] = lax.dot_general(
      wext_ref[...], e, (((0,), (1,)), ((), ())),
      preferred_element_type=jnp.float32)
  io = lax.broadcasted_iota(jnp.int32, (_TB, L), 1)
  mask_ref[...] = io >= lens_ref[...]


_tc_call = pl.pallas_call(
    _tc_body,
    grid=(B // _TB,),
    in_specs=[
        pl.BlockSpec((_TB, 1), lambda i: (i, 0)),
        pl.BlockSpec((_TB, 1), lambda i: (i, 0)),
        pl.BlockSpec((_TB, 1), lambda i: (i, 0)),
        pl.BlockSpec((_TB, _G), lambda i: (i, 0)),
        pl.BlockSpec((_TB, _G), lambda i: (i, 0)),
        pl.BlockSpec((2 * _G, V), lambda i: (0, 0)),
    ],
    out_specs=[
        pl.BlockSpec((V, _TB), lambda i: (0, i)),
        pl.BlockSpec((_TB, L), lambda i: (i, 0)),
    ],
    out_shape=[
        jax.ShapeDtypeStruct((V, B), jnp.float32),
        jax.ShapeDtypeStruct((B, L), jnp.bool_),
    ],
)


def kernel(pos_attr_set, pos_attr_lens, neg_attr_set, neg_attr_lens,
           neg_attr_set_num, user_ids, item_ids, _, user_table, item_table,
           W_user, W_item):
  up = user_table.reshape(_NPACK, _G)
  ip = item_table.reshape(_NPACK, _G)
  uids = user_ids.astype(jnp.int32)
  iids = item_ids.astype(jnp.int32)
  uid_g = (uids >> 2).reshape(B // _CHUNK, _CHUNK)
  iid_g = (iids >> 2).reshape(B // _CHUNK, _CHUNK)
  ue, ie = _sc_gather(up, uid_g, ip, iid_g)
  wext = jnp.concatenate(
      [jnp.tile(W_user.T, (_RPG, 1)), jnp.tile(W_item.T, (_RPG, 1))], axis=0)
  logits_t, mask = _tc_call(
      pos_attr_lens.astype(jnp.int32).reshape(B, 1),
      (uids & 3).reshape(B, 1), (iids & 3).reshape(B, 1),
      ue, ie, wext)
  return (logits_t.T, mask)

# --- scband reference (transcript-rebuilt; emitter-appended) ---
"""Pipeline reference for scband-attr-network-80556406604018 (READ-ONLY COPY).

The authoritative reference and input builder live on the scoring server;
editing this copy changes nothing except your own understanding.
"""

import jax, jax.numpy as jnp
import numpy as np

B = 16384
N_USER = 1000000
N_ITEM = 1000000
D = 32
V = 1000
L = 20


def setup_inputs(seed: int = 0) -> dict:
    key = jax.random.key(seed)
    ks = jax.random.split(key, 11)
    pos_attr_set = jax.random.randint(ks[0], (B, L), 0, V)
    pos_attr_lens = jax.random.randint(ks[1], (B,), 1, L + 1)
    neg_attr_set = jax.random.randint(ks[2], (B, L), 0, V)
    neg_attr_lens = jax.random.randint(ks[3], (B,), 1, L + 1)
    neg_attr_set_num = jax.random.randint(ks[4], (B,), 0, L)
    user_ids = jax.random.randint(ks[5], (B,), 0, N_USER)
    item_ids = jax.random.randint(ks[6], (B,), 0, N_ITEM)
    user_table = jax.random.uniform(ks[7], (N_USER, D), minval=-0.1, maxval=0.1, dtype=jnp.float32)
    item_table = jax.random.uniform(ks[8], (N_ITEM, D), minval=-0.1, maxval=0.1, dtype=jnp.float32)
    W_user = jax.random.uniform(ks[9], (V, D), minval=-0.1, maxval=0.1, dtype=jnp.float32)
    W_item = jax.random.uniform(ks[10], (V, D), minval=-0.1, maxval=0.1, dtype=jnp.float32)
    return {
        'pos_attr_set': pos_attr_set,
        'pos_attr_lens': pos_attr_lens,
        'neg_attr_set': neg_attr_set,
        'neg_attr_lens': neg_attr_lens,
        'neg_attr_set_num': neg_attr_set_num,
        'user_ids': user_ids,
        'item_ids': item_ids,
        '_': 0,
        'user_table': user_table,
        'item_table': item_table,
        'W_user': W_user,
        'W_item': W_item,
    }


def _generate_mask(length):
    max_len = L
    mask = jnp.arange(0, max_len)[None, :] < length[:, None]
    return ~mask


def reference(pos_attr_set, pos_attr_lens, neg_attr_set, neg_attr_lens, neg_attr_set_num, user_ids, item_ids, _, user_table, item_table, W_user, W_item):
    # embedding lookups (dropout is identity in eval mode)
    user_embed = jnp.take(user_table, user_ids, axis=0)
    item_embed = jnp.take(item_table, item_ids, axis=0)
    mask = _generate_mask(pos_attr_lens)
    # Linear(attr_emb_size, vocab_size, bias=False): y = x @ W.T
    user_logits = user_embed @ W_user.T
    item_logits = item_embed @ W_item.T
    logits = user_logits + item_logits
    return (logits, mask)

if __name__ == "__main__":
    import jax
    _d = setup_inputs()
    print(jax.jit(kernel)(*tuple(_d.values())))

</pallas_src>

<mosaic_0001>
#map = affine_map<(d0, d1) -> (0, 0)>
module attributes {stable_mosaic.version = 14 : i64} {
  func.func @_sc_gather(%arg0: i32, %arg1: i32, %arg2: memref<250000x128xf32, #tpu.memory_space<hbm>>, %arg3: memref<128x128xi32, #tpu.memory_space<hbm>>, %arg4: memref<250000x128xf32, #tpu.memory_space<hbm>>, %arg5: memref<128x128xi32, #tpu.memory_space<hbm>>, %arg6: memref<16384x128xf32, #tpu.memory_space<hbm>>, %arg7: memref<16384x128xf32, #tpu.memory_space<hbm>>, %arg8: memref<4x128xi32, #tpu.memory_space<vmem>>, %arg9: memref<512x128xf32, #tpu.memory_space<vmem>>, %arg10: memref<!tpu.dma_semaphore, #tpu.memory_space<semaphore_mem>>) attributes {dimension_semantics = [#tpu.dimension_semantics<core_parallel>, #tpu.dimension_semantics<subcore_parallel>], iteration_bounds = array<i64: 2, 16>, scalar_prefetch = 0 : i64, scratch_operands = 3 : i64, tpu.core_type = #tpu.core_type<sc_vector_subcore>, window_params = [{transform_indices = #map}, {transform_indices = #map}, {transform_indices = #map}, {transform_indices = #map}, {transform_indices = #map}, {transform_indices = #map}]} {
    %mul3A = arith.constant 2 : i32
    %mul3A_0 = arith.muli %arg1, %mul3A : i32
    %add3A = arith.addi %mul3A_0, %arg0 : i32
    %mul3A_1 = arith.constant 512 : i32
    %mul3A_2 = arith.muli %add3A, %mul3A_1 : i32
    %mul3A_3 = arith.constant 4 : i32
    %mul3A_4 = arith.muli %add3A, %mul3A_3 : i32
    "tpu.region"() ({
      %run_scoped3A = tpu.sem_alloc : memref<!tpu.dma_semaphore, #tpu.memory_space<semaphore_mem>>
      %dma_start3A_163 = arith.constant 0 : i32
      %dma_start3A_164 = tpu.memref_slice %arg3[%mul3A_4, %dma_start3A_163] : memref<128x128xi32, #tpu.memory_space<hbm>> -> memref<4x128xi32, #tpu.memory_space<hbm>>
      %dma_start3A_165 = arith.constant 0 : i32
      %dma_start3A_166 = tpu.memref_slice %arg3[%mul3A_4, %dma_start3A_165] : memref<128x128xi32, #tpu.memory_space<hbm>> -> memref<4x128xi32, #tpu.memory_space<hbm>>
      tpu.enqueue_dma source(%dma_start3A_166 : memref<4x128xi32, #tpu.memory_space<hbm>>) target(%arg8 : memref<4x128xi32, #tpu.memory_space<vmem>>) target_semaphore(%run_scoped3A : memref<!tpu.dma_semaphore, #tpu.memory_space<semaphore_mem>>)
      %dma_wait3A_167 = arith.constant 0 : i32
      %dma_wait3A_168 = tpu.memref_slice %arg3[%mul3A_4, %dma_wait3A_167] : memref<128x128xi32, #tpu.memory_space<hbm>> -> memref<4x128xi32, #tpu.memory_space<hbm>>
      %dma_wait3A_169 = arith.constant 0 : i32
      %dma_wait3A_170 = tpu.memref_slice %arg3[%mul3A_4, %dma_wait3A_169] : memref<128x128xi32, #tpu.memory_space<hbm>> -> memref<4x128xi32, #tpu.memory_space<hbm>>
      tpu.wait_dma2 semaphore(%run_scoped3A : memref<!tpu.dma_semaphore, #tpu.memory_space<semaphore_mem>>) src(%dma_wait3A_170 : memref<4x128xi32, #tpu.memory_space<hbm>>) dst(%arg8 : memref<4x128xi32, #tpu.memory_space<vmem>>)
      tpu.yield
    }) : () -> ()
    %dma_start3A = arith.constant 0 : i32
    %dma_start3A_5 = arith.constant 0 : i32
    %dma_start3A_6 = arith.constant 0 : i32
    %dma_start3A_7 = tpu.memref_slice %arg9[%dma_start3A_5, %dma_start3A_6] : memref<512x128xf32, #tpu.memory_space<vmem>> -> memref<128x128xf32, #tpu.memory_space<vmem>>
    %dma_start3A_8 = arith.constant 0 : i32
    %dma_start3A_9 = tpu.memref_slice %arg8[%dma_start3A, %dma_start3A_8] : memref<4x128xi32, #tpu.memory_space<vmem>> -> memref<1x128xi32, #tpu.memory_space<vmem>>
    %dma_start3A_10 = tpu.memref_squeeze %dma_start3A_9 : memref<1x128xi32, #tpu.memory_space<vmem>> -> memref<128xi32, #tpu.memory_space<vmem>>
    %dma_start3A_11 = arith.constant 0 : i32
    %dma_start3A_12 = arith.constant 0 : i32
    %dma_start3A_13 = tpu.memref_slice %arg2[%dma_start3A_11, %dma_start3A_12] : memref<250000x128xf32, #tpu.memory_space<hbm>> -> memref<250000x128xf32, #tpu.memory_space<hbm>>
    tpu.enqueue_indirect_dma source(%dma_start3A_13 : memref<250000x128xf32, #tpu.memory_space<hbm>>) target(%dma_start3A_7 : memref<128x128xf32, #tpu.memory_space<vmem>>) offsets(%dma_start3A_10 : memref<128xi32, #tpu.memory_space<vmem>>) semaphore(%arg10 : memref<!tpu.dma_semaphore, #tpu.memory_space<semaphore_mem>>)
    %dma_start3A_14 = arith.constant 1 : i32
    %dma_start3A_15 = arith.constant 128 : i32
    %dma_start3A_16 = arith.constant 0 : i32
    %dma_start3A_17 = tpu.memref_slice %arg9[%dma_start3A_15, %dma_start3A_16] : memref<512x128xf32, #tpu.memory_space<vmem>> -> memref<128x128xf32, #tpu.memory_space<vmem>>
    %dma_start3A_18 = arith.constant 0 : i32
    %dma_start3A_19 = tpu.memref_slice %arg8[%dma_start3A_14, %dma_start3A_18] : memref<4x128xi32, #tpu.memory_space<vmem>> -> memref<1x128xi32, #tpu.memory_space<vmem>>
    %dma_start3A_20 = tpu.memref_squeeze %dma_start3A_19 : memref<1x128xi32, #tpu.memory_space<vmem>> -> memref<128xi32, #tpu.memory_space<vmem>>
    %dma_start3A_21 = arith.constant 0 : i32
    %dma_start3A_22 = arith.constant 0 : i32
    %dma_start3A_23 = tpu.memref_slice %arg2[%dma_start3A_21, %dma_start3A_22] : memref<250000x128xf32, #tpu.memory_space<hbm>> -> memref<250000x128xf32, #tpu.memory_space<hbm>>
    tpu.enqueue_indirect_dma source(%dma_start3A_23 : memref<250000x128xf32, #tpu.memory_space<hbm>>) target(%dma_start3A_17 : memref<128x128xf32, #tpu.memory_space<vmem>>) offsets(%dma_start3A_20 : memref<128xi32, #tpu.memory_space<vmem>>) semaphore(%arg10 : memref<!tpu.dma_semaphore, #tpu.memory_space<semaphore_mem>>)
    %dma_start3A_24 = arith.constant 2 : i32
    %dma_start3A_25 = arith.constant 256 : i32
    %dma_start3A_26 = arith.constant 0 : i32
    %dma_start3A_27 = tpu.memref_slice %arg9[%dma_start3A_25, %dma_start3A_26] : memref<512x128xf32, #tpu.memory_space<vmem>> -> memref<128x128xf32, #tpu.memory_space<vmem>>
    %dma_start3A_28 = arith.constant 0 : i32
    %dma_start3A_29 = tpu.memref_slice %arg8[%dma_start3A_24, %dma_start3A_28] : memref<4x128xi32, #tpu.memory_space<vmem>> -> memref<1x128xi32, #tpu.memory_space<vmem>>
    %dma_start3A_30 = tpu.memref_squeeze %dma_start3A_29 : memref<1x128xi32, #tpu.memory_space<vmem>> -> memref<128xi32, #tpu.memory_space<vmem>>
    %dma_start3A_31 = arith.constant 0 : i32
    %dma_start3A_32 = arith.constant 0 : i32
    %dma_start3A_33 = tpu.memref_slice %arg2[%dma_start3A_31, %dma_start3A_32] : memref<250000x128xf32, #tpu.memory_space<hbm>> -> memref<250000x128xf32, #tpu.memory_space<hbm>>
    tpu.enqueue_indirect_dma source(%dma_start3A_33 : memref<250000x128xf32, #tpu.memory_space<hbm>>) target(%dma_start3A_27 : memref<128x128xf32, #tpu.memory_space<vmem>>) offsets(%dma_start3A_30 : memref<128xi32, #tpu.memory_space<vmem>>) semaphore(%arg10 : memref<!tpu.dma_semaphore, #tpu.memory_space<semaphore_mem>>)
    %dma_start3A_34 = arith.constant 3 : i32
    %dma_start3A_35 = arith.constant 384 : i32
    %dma_start3A_36 = arith.constant 0 : i32
    %dma_start3A_37 = tpu.memref_slice %arg9[%dma_start3A_35, %dma_start3A_36] : memref<512x128xf32, #tpu.memory_space<vmem>> -> memref<128x128xf32, #tpu.memory_space<vmem>>
    %dma_start3A_38 = arith.constant 0 : i32
    %dma_start3A_39 = tpu.memref_slice %arg8[%dma_start3A_34, %dma_start3A_38] : memref<4x128xi32, #tpu.memory_space<vmem>> -> memref<1x128xi32, #tpu.memory_space<vmem>>
    %dma_start3A_40 = tpu.memref_squeeze %dma_start3A_39 : memref<1x128xi32, #tpu.memory_space<vmem>> -> memref<128xi32, #tpu.memory_space<vmem>>
    %dma_start3A_41 = arith.constant 0 : i32
    %dma_start3A_42 = arith.constant 0 : i32
    %dma_start3A_43 = tpu.memref_slice %arg2[%dma_start3A_41, %dma_start3A_42] : memref<250000x128xf32, #tpu.memory_space<hbm>> -> memref<250000x128xf32, #tpu.memory_space<hbm>>
    tpu.enqueue_indirect_dma source(%dma_start3A_43 : memref<250000x128xf32, #tpu.memory_space<hbm>>) target(%dma_start3A_37 : memref<128x128xf32, #tpu.memory_space<vmem>>) offsets(%dma_start3A_40 : memref<128xi32, #tpu.memory_space<vmem>>) semaphore(%arg10 : memref<!tpu.dma_semaphore, #tpu.memory_space<semaphore_mem>>)
    %dma_wait3A = arith.constant 0 : i32
    %dma_wait3A_44 = arith.constant 0 : i32
    %dma_wait3A_45 = arith.constant 0 : i32
    %dma_wait3A_46 = tpu.memref_slice %arg9[%dma_wait3A_44, %dma_wait3A_45] : memref<512x128xf32, #tpu.memory_space<vmem>> -> memref<128x128xf32, #tpu.memory_space<vmem>>
    %dma_wait3A_47 = arith.constant 0 : i32
    %dma_wait3A_48 = tpu.memref_slice %arg8[%dma_wait3A, %dma_wait3A_47] : memref<4x128xi32, #tpu.memory_space<vmem>> -> memref<1x128xi32, #tpu.memory_space<vmem>>
    %dma_wait3A_49 = tpu.memref_squeeze %dma_wait3A_48 : memref<1x128xi32, #tpu.memory_space<vmem>> -> memref<128xi32, #tpu.memory_space<vmem>>
    %dma_wait3A_50 = arith.constant 0 : i32
    %dma_wait3A_51 = arith.constant 0 : i32
    %dma_wait3A_52 = tpu.memref_slice %arg2[%dma_wait3A_50, %dma_wait3A_51] : memref<250000x128xf32, #tpu.memory_space<hbm>> -> memref<250000x128xf32, #tpu.memory_space<hbm>>
    tpu.wait_indirect_dma semaphore(%arg10 : memref<!tpu.dma_semaphore, #tpu.memory_space<semaphore_mem>>) src(%dma_wait3A_52 : memref<250000x128xf32, #tpu.memory_space<hbm>>) dst(%dma_wait3A_46 : memref<128x128xf32, #tpu.memory_space<vmem>>)
    %dma_wait3A_53 = arith.constant 1 : i32
    %dma_wait3A_54 = arith.constant 128 : i32
    %dma_wait3A_55 = arith.constant 0 : i32
    %dma_wait3A_56 = tpu.memref_slice %arg9[%dma_wait3A_54, %dma_wait3A_55] : memref<512x128xf32, #tpu.memory_space<vmem>> -> memref<128x128xf32, #tpu.memory_space<vmem>>
    %dma_wait3A_57 = arith.constant 0 : i32
    %dma_wait3A_58 = tpu.memref_slice %arg8[%dma_wait3A_53, %dma_wait3A_57] : memref<4x128xi32, #tpu.memory_space<vmem>> -> memref<1x128xi32, #tpu.memory_space<vmem>>
    %dma_wait3A_59 = tpu.memref_squeeze %dma_wait3A_58 : memref<1x128xi32, #tpu.memory_space<vmem>> -> memref<128xi32, #tpu.memory_space<vmem>>
    %dma_wait3A_60 = arith.constant 0 : i32
    %dma_wait3A_61 = arith.constant 0 : i32
    %dma_wait3A_62 = tpu.memref_slice %arg2[%dma_wait3A_60, %dma_wait3A_61] : memref<250000x128xf32, #tpu.memory_space<hbm>> -> memref<250000x128xf32, #tpu.memory_space<hbm>>
    tpu.wait_indirect_dma semaphore(%arg10 : memref<!tpu.dma_semaphore, #tpu.memory_space<semaphore_mem>>) src(%dma_wait3A_62 : memref<250000x128xf32, #tpu.memory_space<hbm>>) dst(%dma_wait3A_56 : memref<128x128xf32, #tpu.memory_space<vmem>>)
    %dma_wait3A_63 = arith.constant 2 : i32
    %dma_wait3A_64 = arith.constant 256 : i32
    %dma_wait3A_65 = arith.constant 0 : i32
    %dma_wait3A_66 = tpu.memref_slice %arg9[%dma_wait3A_64, %dma_wait3A_65] : memref<512x128xf32, #tpu.memory_space<vmem>> -> memref<128x128xf32, #tpu.memory_space<vmem>>
    %dma_wait3A_67 = arith.constant 0 : i32
    %dma_wait3A_68 = tpu.memref_slice %arg8[%dma_wait3A_63, %dma_wait3A_67] : memref<4x128xi32, #tpu.memory_space<vmem>> -> memref<1x128xi32, #tpu.memory_space<vmem>>
    %dma_wait3A_69 = tpu.memref_squeeze %dma_wait3A_68 : memref<1x128xi32, #tpu.memory_space<vmem>> -> memref<128xi32, #tpu.memory_space<vmem>>
    %dma_wait3A_70 = arith.constant 0 : i32
    %dma_wait3A_71 = arith.constant 0 : i32
    %dma_wait3A_72 = tpu.memref_slice %arg2[%dma_wait3A_70, %dma_wait3A_71] : memref<250000x128xf32, #tpu.memory_space<hbm>> -> memref<250000x128xf32, #tpu.memory_space<hbm>>
    tpu.wait_indirect_dma semaphore(%arg10 : memref<!tpu.dma_semaphore, #tpu.memory_space<semaphore_mem>>) src(%dma_wait3A_72 : memref<250000x128xf32, #tpu.memory_space<hbm>>) dst(%dma_wait3A_66 : memref<128x128xf32, #tpu.memory_space<vmem>>)
    %dma_wait3A_73 = arith.constant 3 : i32
    %dma_wait3A_74 = arith.constant 384 : i32
    %dma_wait3A_75 = arith.constant 0 : i32
    %dma_wait3A_76 = tpu.memref_slice %arg9[%dma_wait3A_74, %dma_wait3A_75] : memref<512x128xf32, #tpu.memory_space<vmem>> -> memref<128x128xf32, #tpu.memory_space<vmem>>
    %dma_wait3A_77 = arith.constant 0 : i32
    %dma_wait3A_78 = tpu.memref_slice %arg8[%dma_wait3A_73, %dma_wait3A_77] : memref<4x128xi32, #tpu.memory_space<vmem>> -> memref<1x128xi32, #tpu.memory_space<vmem>>
    %dma_wait3A_79 = tpu.memref_squeeze %dma_wait3A_78 : memref<1x128xi32, #tpu.memory_space<vmem>> -> memref<128xi32, #tpu.memory_space<vmem>>
    %dma_wait3A_80 = arith.constant 0 : i32
    %dma_wait3A_81 = arith.constant 0 : i32
    %dma_wait3A_82 = tpu.memref_slice %arg2[%dma_wait3A_80, %dma_wait3A_81] : memref<250000x128xf32, #tpu.memory_space<hbm>> -> memref<250000x128xf32, #tpu.memory_space<hbm>>
    tpu.wait_indirect_dma semaphore(%arg10 : memref<!tpu.dma_semaphore, #tpu.memory_space<semaphore_mem>>) src(%dma_wait3A_82 : memref<250000x128xf32, #tpu.memory_space<hbm>>) dst(%dma_wait3A_76 : memref<128x128xf32, #tpu.memory_space<vmem>>)
    "tpu.region"() ({
      %run_scoped3A = tpu.sem_alloc : memref<!tpu.dma_semaphore, #tpu.memory_space<semaphore_mem>>
      %dma_start3A_163 = arith.constant 0 : i32
      %dma_start3A_164 = tpu.memref_slice %arg6[%mul3A_2, %dma_start3A_163] : memref<16384x128xf32, #tpu.memory_space<hbm>> -> memref<512x128xf32, #tpu.memory_space<hbm>>
      %dma_start3A_165 = arith.constant 0 : i32
      %dma_start3A_166 = tpu.memref_slice %arg6[%mul3A_2, %dma_start3A_165] : memref<16384x128xf32, #tpu.memory_space<hbm>> -> memref<512x128xf32, #tpu.memory_space<hbm>>
      tpu.enqueue_dma source(%arg9 : memref<512x128xf32, #tpu.memory_space<vmem>>) target(%dma_start3A_166 : memref<512x128xf32, #tpu.memory_space<hbm>>) target_semaphore(%run_scoped3A : memref<!tpu.dma_semaphore, #tpu.memory_space<semaphore_mem>>)
      %dma_wait3A_167 = arith.constant 0 : i32
      %dma_wait3A_168 = tpu.memref_slice %arg6[%mul3A_2, %dma_wait3A_167] : memref<16384x128xf32, #tpu.memory_space<hbm>> -> memref<512x128xf32, #tpu.memory_space<hbm>>
      %dma_wait3A_169 = arith.constant 0 : i32
      %dma_wait3A_170 = tpu.memref_slice %arg6[%mul3A_2, %dma_wait3A_169] : memref<16384x128xf32, #tpu.memory_space<hbm>> -> memref<512x128xf32, #tpu.memory_space<hbm>>
      tpu.wait_dma2 semaphore(%run_scoped3A : memref<!tpu.dma_semaphore, #tpu.memory_space<semaphore_mem>>) src(%arg9 : memref<512x128xf32, #tpu.memory_space<vmem>>) dst(%dma_wait3A_170 : memref<512x128xf32, #tpu.memory_space<hbm>>)
      tpu.yield
    }) : () -> ()
    "tpu.region"() ({
      %run_scoped3A = tpu.sem_alloc : memref<!tpu.dma_semaphore, #tpu.memory_space<semaphore_mem>>
      %dma_start3A_163 = arith.constant 0 : i32
      %dma_start3A_164 = tpu.memref_slice %arg5[%mul3A_4, %dma_start3A_163] : memref<128x128xi32, #tpu.memory_space<hbm>> -> memref<4x128xi32, #tpu.memory_space<hbm>>
      %dma_start3A_165 = arith.constant 0 : i32
      %dma_start3A_166 = tpu.memref_slice %arg5[%mul3A_4, %dma_start3A_165] : memref<128x128xi32, #tpu.memory_space<hbm>> -> memref<4x128xi32, #tpu.memory_space<hbm>>
      tpu.enqueue_dma source(%dma_start3A_166 : memref<4x128xi32, #tpu.memory_space<hbm>>) target(%arg8 : memref<4x128xi32, #tpu.memory_space<vmem>>) target_semaphore(%run_scoped3A : memref<!tpu.dma_semaphore, #tpu.memory_space<semaphore_mem>>)
      %dma_wait3A_167 = arith.constant 0 : i32
      %dma_wait3A_168 = tpu.memref_slice %arg5[%mul3A_4, %dma_wait3A_167] : memref<128x128xi32, #tpu.memory_space<hbm>> -> memref<4x128xi32, #tpu.memory_space<hbm>>
      %dma_wait3A_169 = arith.constant 0 : i32
      %dma_wait3A_170 = tpu.memref_slice %arg5[%mul3A_4, %dma_wait3A_169] : memref<128x128xi32, #tpu.memory_space<hbm>> -> memref<4x128xi32, #tpu.memory_space<hbm>>
      tpu.wait_dma2 semaphore(%run_scoped3A : memref<!tpu.dma_semaphore, #tpu.memory_space<semaphore_mem>>) src(%dma_wait3A_170 : memref<4x128xi32, #tpu.memory_space<hbm>>) dst(%arg8 : memref<4x128xi32, #tpu.memory_space<vmem>>)
      tpu.yield
    }) : () -> ()
    %dma_start3A_83 = arith.constant 0 : i32
    %dma_start3A_84 = arith.constant 0 : i32
    %dma_start3A_85 = arith.constant 0 : i32
    %dma_start3A_86 = tpu.memref_slice %arg9[%dma_start3A_84, %dma_start3A_85] : memref<512x128xf32, #tpu.memory_space<vmem>> -> memref<128x128xf32, #tpu.memory_space<vmem>>
    %dma_start3A_87 = arith.constant 0 : i32
    %dma_start3A_88 = tpu.memref_slice %arg8[%dma_start3A_83, %dma_start3A_87] : memref<4x128xi32, #tpu.memory_space<vmem>> -> memref<1x128xi32, #tpu.memory_space<vmem>>
    %dma_start3A_89 = tpu.memref_squeeze %dma_start3A_88 : memref<1x128xi32, #tpu.memory_space<vmem>> -> memref<128xi32, #tpu.memory_space<vmem>>
    %dma_start3A_90 = arith.constant 0 : i32
    %dma_start3A_91 = arith.constant 0 : i32
    %dma_start3A_92 = tpu.memref_slice %arg4[%dma_start3A_90, %dma_start3A_91] : memref<250000x128xf32, #tpu.memory_space<hbm>> -> memref<250000x128xf32, #tpu.memory_space<hbm>>
    tpu.enqueue_indirect_dma source(%dma_start3A_92 : memref<250000x128xf32, #tpu.memory_space<hbm>>) target(%dma_start3A_86 : memref<128x128xf32, #tpu.memory_space<vmem>>) offsets(%dma_start3A_89 : memref<128xi32, #tpu.memory_space<vmem>>) semaphore(%arg10 : memref<!tpu.dma_semaphore, #tpu.memory_space<semaphore_mem>>)
    %dma_start3A_93 = arith.constant 1 : i32
    %dma_start3A_94 = arith.constant 128 : i32
    %dma_start3A_95 = arith.constant 0 : i32
    %dma_start3A_96 = tpu.memref_slice %arg9[%dma_start3A_94, %dma_start3A_95] : memref<512x128xf32, #tpu.memory_space<vmem>> -> memref<128x128xf32, #tpu.memory_space<vmem>>
    %dma_start3A_97 = arith.constant 0 : i32
    %dma_start3A_98 = tpu.memref_slice %arg8[%dma_start3A_93, %dma_start3A_97] : memref<4x128xi32, #tpu.memory_space<vmem>> -> memref<1x128xi32, #tpu.memory_space<vmem>>
    %dma_start3A_99 = tpu.memref_squeeze %dma_start3A_98 : memref<1x128xi32, #tpu.memory_space<vmem>> -> memref<128xi32, #tpu.memory_space<vmem>>
    %dma_start3A_100 = arith.constant 0 : i32
    %dma_start3A_101 = arith.constant 0 : i32
    %dma_start3A_102 = tpu.memref_slice %arg4[%dma_start3A_100, %dma_start3A_101] : memref<250000x128xf32, #tpu.memory_space<hbm>> -> memref<250000x128xf32, #tpu.memory_space<hbm>>
    tpu.enqueue_indirect_dma source(%dma_start3A_102 : memref<250000x128xf32, #tpu.memory_space<hbm>>) target(%dma_start3A_96 : memref<128x128xf32, #tpu.memory_space<vmem>>) offsets(%dma_start3A_99 : memref<128xi32, #tpu.memory_space<vmem>>) semaphore(%arg10 : memref<!tpu.dma_semaphore, #tpu.memory_space<semaphore_mem>>)
    %dma_start3A_103 = arith.constant 2 : i32
    %dma_start3A_104 = arith.constant 256 : i32
    %dma_start3A_105 = arith.constant 0 : i32
    %dma_start3A_106 = tpu.memref_slice %arg9[%dma_start3A_104, %dma_start3A_105] : memref<512x128xf32, #tpu.memory_space<vmem>> -> memref<128x128xf32, #tpu.memory_space<vmem>>
    %dma_start3A_107 = arith.constant 0 : i32
    %dma_start3A_108 = tpu.memref_slice %arg8[%dma_start3A_103, %dma_start3A_107] : memref<4x128xi32, #tpu.memory_space<vmem>> -> memref<1x128xi32, #tpu.memory_space<vmem>>
    %dma_start3A_109 = tpu.memref_squeeze %dma_start3A_108 : memref<1x128xi32, #tpu.memory_space<vmem>> -> memref<128xi32, #tpu.memory_space<vmem>>
    %dma_start3A_110 = arith.constant 0 : i32
    %dma_start3A_111 = arith.constant 0 : i32
    %dma_start3A_112 = tpu.memref_slice %arg4[%dma_start3A_110, %dma_start3A_111] : memref<250000x128xf32, #tpu.memory_space<hbm>> -> memref<250000x128xf32, #tpu.memory_space<hbm>>
    tpu.enqueue_indirect_dma source(%dma_start3A_112 : memref<250000x128xf32, #tpu.memory_space<hbm>>) target(%dma_start3A_106 : memref<128x128xf32, #tpu.memory_space<vmem>>) offsets(%dma_start3A_109 : memref<128xi32, #tpu.memory_space<vmem>>) semaphore(%arg10 : memref<!tpu.dma_semaphore, #tpu.memory_space<semaphore_mem>>)
    %dma_start3A_113 = arith.constant 3 : i32
    %dma_start3A_114 = arith.constant 384 : i32
    %dma_start3A_115 = arith.constant 0 : i32
    %dma_start3A_116 = tpu.memref_slice %arg9[%dma_start3A_114, %dma_start3A_115] : memref<512x128xf32, #tpu.memory_space<vmem>> -> memref<128x128xf32, #tpu.memory_space<vmem>>
    %dma_start3A_117 = arith.constant 0 : i32
    %dma_start3A_118 = tpu.memref_slice %arg8[%dma_start3A_113, %dma_start3A_117] : memref<4x128xi32, #tpu.memory_space<vmem>> -> memref<1x128xi32, #tpu.memory_space<vmem>>
    %dma_start3A_119 = tpu.memref_squeeze %dma_start3A_118 : memref<1x128xi32, #tpu.memory_space<vmem>> -> memref<128xi32, #tpu.memory_space<vmem>>
    %dma_start3A_120 = arith.constant 0 : i32
    %dma_start3A_121 = arith.constant 0 : i32
    %dma_start3A_122 = tpu.memref_slice %arg4[%dma_start3A_120, %dma_start3A_121] : memref<250000x128xf32, #tpu.memory_space<hbm>> -> memref<250000x128xf32, #tpu.memory_space<hbm>>
    tpu.enqueue_indirect_dma source(%dma_start3A_122 : memref<250000x128xf32, #tpu.memory_space<hbm>>) target(%dma_start3A_116 : memref<128x128xf32, #tpu.memory_space<vmem>>) offsets(%dma_start3A_119 : memref<128xi32, #tpu.memory_space<vmem>>) semaphore(%arg10 : memref<!tpu.dma_semaphore, #tpu.memory_space<semaphore_mem>>)
    %dma_wait3A_123 = arith.constant 0 : i32
    %dma_wait3A_124 = arith.constant 0 : i32
    %dma_wait3A_125 = arith.constant 0 : i32
    %dma_wait3A_126 = tpu.memref_slice %arg9[%dma_wait3A_124, %dma_wait3A_125] : memref<512x128xf32, #tpu.memory_space<vmem>> -> memref<128x128xf32, #tpu.memory_space<vmem>>
    %dma_wait3A_127 = arith.constant 0 : i32
    %dma_wait3A_128 = tpu.memref_slice %arg8[%dma_wait3A_123, %dma_wait3A_127] : memref<4x128xi32, #tpu.memory_space<vmem>> -> memref<1x128xi32, #tpu.memory_space<vmem>>
    %dma_wait3A_129 = tpu.memref_squeeze %dma_wait3A_128 : memref<1x128xi32, #tpu.memory_space<vmem>> -> memref<128xi32, #tpu.memory_space<vmem>>
    %dma_wait3A_130 = arith.constant 0 : i32
    %dma_wait3A_131 = arith.constant 0 : i32
    %dma_wait3A_132 = tpu.memref_slice %arg4[%dma_wait3A_130, %dma_wait3A_131] : memref<250000x128xf32, #tpu.memory_space<hbm>> -> memref<250000x128xf32, #tpu.memory_space<hbm>>
    tpu.wait_indirect_dma semaphore(%arg10 : memref<!tpu.dma_semaphore, #tpu.memory_space<semaphore_mem>>) src(%dma_wait3A_132 : memref<250000x128xf32, #tpu.memory_space<hbm>>) dst(%dma_wait3A_126 : memref<128x128xf32, #tpu.memory_space<vmem>>)
    %dma_wait3A_133 = arith.constant 1 : i32
    %dma_wait3A_134 = arith.constant 128 : i32
    %dma_wait3A_135 = arith.constant 0 : i32
    %dma_wait3A_136 = tpu.memref_slice %arg9[%dma_wait3A_134, %dma_wait3A_135] : memref<512x128xf32, #tpu.memory_space<vmem>> -> memref<128x128xf32, #tpu.memory_space<vmem>>
    %dma_wait3A_137 = arith.constant 0 : i32
    %dma_wait3A_138 = tpu.memref_slice %arg8[%dma_wait3A_133, %dma_wait3A_137] : memref<4x128xi32, #tpu.memory_space<vmem>> -> memref<1x128xi32, #tpu.memory_space<vmem>>
    %dma_wait3A_139 = tpu.memref_squeeze %dma_wait3A_138 : memref<1x128xi32, #tpu.memory_space<vmem>> -> memref<128xi32, #tpu.memory_space<vmem>>
    %dma_wait3A_140 = arith.constant 0 : i32
    %dma_wait3A_141 = arith.constant 0 : i32
    %dma_wait3A_142 = tpu.memref_slice %arg4[%dma_wait3A_140, %dma_wait3A_141] : memref<250000x128xf32, #tpu.memory_space<hbm>> -> memref<250000x128xf32, #tpu.memory_space<hbm>>
    tpu.wait_indirect_dma semaphore(%arg10 : memref<!tpu.dma_semaphore, #tpu.memory_space<semaphore_mem>>) src(%dma_wait3A_142 : memref<250000x128xf32, #tpu.memory_space<hbm>>) dst(%dma_wait3A_136 : memref<128x128xf32, #tpu.memory_space<vmem>>)
    %dma_wait3A_143 = arith.constant 2 : i32
    %dma_wait3A_144 = arith.constant 256 : i32
    %dma_wait3A_145 = arith.constant 0 : i32
    %dma_wait3A_146 = tpu.memref_slice %arg9[%dma_wait3A_144, %dma_wait3A_145] : memref<512x128xf32, #tpu.memory_space<vmem>> -> memref<128x128xf32, #tpu.memory_space<vmem>>
    %dma_wait3A_147 = arith.constant 0 : i32
    %dma_wait3A_148 = tpu.memref_slice %arg8[%dma_wait3A_143, %dma_wait3A_147] : memref<4x128xi32, #tpu.memory_space<vmem>> -> memref<1x128xi32, #tpu.memory_space<vmem>>
    %dma_wait3A_149 = tpu.memref_squeeze %dma_wait3A_148 : memref<1x128xi32, #tpu.memory_space<vmem>> -> memref<128xi32, #tpu.memory_space<vmem>>
    %dma_wait3A_150 = arith.constant 0 : i32
    %dma_wait3A_151 = arith.constant 0 : i32
    %dma_wait3A_152 = tpu.memref_slice %arg4[%dma_wait3A_150, %dma_wait3A_151] : memref<250000x128xf32, #tpu.memory_space<hbm>> -> memref<250000x128xf32, #tpu.memory_space<hbm>>
    tpu.wait_indirect_dma semaphore(%arg10 : memref<!tpu.dma_semaphore, #tpu.memory_space<semaphore_mem>>) src(%dma_wait3A_152 : memref<250000x128xf32, #tpu.memory_space<hbm>>) dst(%dma_wait3A_146 : memref<128x128xf32, #tpu.memory_space<vmem>>)
    %dma_wait3A_153 = arith.constant 3 : i32
    %dma_wait3A_154 = arith.constant 384 : i32
    %dma_wait3A_155 = arith.constant 0 : i32
    %dma_wait3A_156 = tpu.memref_slice %arg9[%dma_wait3A_154, %dma_wait3A_155] : memref<512x128xf32, #tpu.memory_space<vmem>> -> memref<128x128xf32, #tpu.memory_space<vmem>>
    %dma_wait3A_157 = arith.constant 0 : i32
    %dma_wait3A_158 = tpu.memref_slice %arg8[%dma_wait3A_153, %dma_wait3A_157] : memref<4x128xi32, #tpu.memory_space<vmem>> -> memref<1x128xi32, #tpu.memory_space<vmem>>
    %dma_wait3A_159 = tpu.memref_squeeze %dma_wait3A_158 : memref<1x128xi32, #tpu.memory_space<vmem>> -> memref<128xi32, #tpu.memory_space<vmem>>
    %dma_wait3A_160 = arith.constant 0 : i32
    %dma_wait3A_161 = arith.constant 0 : i32
    %dma_wait3A_162 = tpu.memref_slice %arg4[%dma_wait3A_160, %dma_wait3A_161] : memref<250000x128xf32, #tpu.memory_space<hbm>> -> memref<250000x128xf32, #tpu.memory_space<hbm>>
    tpu.wait_indirect_dma semaphore(%arg10 : memref<!tpu.dma_semaphore, #tpu.memory_space<semaphore_mem>>) src(%dma_wait3A_162 : memref<250000x128xf32, #tpu.memory_space<hbm>>) dst(%dma_wait3A_156 : memref<128x128xf32, #tpu.memory_space<vmem>>)
    "tpu.region"() ({
      %run_scoped3A = tpu.sem_alloc : memref<!tpu.dma_semaphore, #tpu.memory_space<semaphore_mem>>
      %dma_start3A_163 = arith.constant 0 : i32
      %dma_start3A_164 = tpu.memref_slice %arg7[%mul3A_2, %dma_start3A_163] : memref<16384x128xf32, #tpu.memory_space<hbm>> -> memref<512x128xf32, #tpu.memory_space<hbm>>
      %dma_start3A_165 = arith.constant 0 : i32
      %dma_start3A_166 = tpu.memref_slice %arg7[%mul3A_2, %dma_start3A_165] : memref<16384x128xf32, #tpu.memory_space<hbm>> -> memref<512x128xf32, #tpu.memory_space<hbm>>
      tpu.enqueue_dma source(%arg9 : memref<512x128xf32, #tpu.memory_space<vmem>>) target(%dma_start3A_166 : memref<512x128xf32, #tpu.memory_space<hbm>>) target_semaphore(%run_scoped3A : memref<!tpu.dma_semaphore, #tpu.memory_space<semaphore_mem>>)
      %dma_wait3A_167 = arith.constant 0 : i32
      %dma_wait3A_168 = tpu.memref_slice %arg7[%mul3A_2, %dma_wait3A_167] : memref<16384x128xf32, #tpu.memory_space<hbm>> -> memref<512x128xf32, #tpu.memory_space<hbm>>
      %dma_wait3A_169 = arith.constant 0 : i32
      %dma_wait3A_170 = tpu.memref_slice %arg7[%mul3A_2, %dma_wait3A_169] : memref<16384x128xf32, #tpu.memory_space<hbm>> -> memref<512x128xf32, #tpu.memory_space<hbm>>
      tpu.wait_dma2 semaphore(%run_scoped3A : memref<!tpu.dma_semaphore, #tpu.memory_space<semaphore_mem>>) src(%arg9 : memref<512x128xf32, #tpu.memory_space<vmem>>) dst(%dma_wait3A_170 : memref<512x128xf32, #tpu.memory_space<hbm>>)
      tpu.yield
    }) : () -> ()
    return
  }
}

module attributes {stable_mosaic.version = 14 : i64} {
  func.func @_tc_body(%arg0: i32, %arg1: memref<1024x1xi32, #tpu.memory_space<vmem>>, %arg2: memref<1024x1xi32, #tpu.memory_space<vmem>>, %arg3: memref<1024x1xi32, #tpu.memory_space<vmem>>, %arg4: memref<1024x128xf32, #tpu.memory_space<vmem>>, %arg5: memref<1024x128xf32, #tpu.memory_space<vmem>>, %arg6: memref<256x1000xf32, #tpu.memory_space<vmem>>, %arg7: memref<1000x1024xf32, #tpu.memory_space<vmem>>, %arg8: memref<1024x20xi32, #tpu.memory_space<vmem>>) attributes {dimension_semantics = [#tpu.dimension_semantics<arbitrary>], iteration_bounds = array<i64: 16>, scalar_prefetch = 0 : i64, scratch_operands = 0 : i64, tpu.core_type = #tpu.core_type<tc>, window_params = [{transform_indices = @transform_0, window_bounds = array<i64: 1024, 1>}, {transform_indices = @transform_1, window_bounds = array<i64: 1024, 1>}, {transform_indices = @transform_2, window_bounds = array<i64: 1024, 1>}, {transform_indices = @transform_3, window_bounds = array<i64: 1024, 128>}, {transform_indices = @transform_4, window_bounds = array<i64: 1024, 128>}, {pipeline_mode = #tpu.pipeline_mode<synchronous>, transform_indices = @transform_5, window_bounds = array<i64: 256, 1000>}, {transform_indices = @transform_6, window_bounds = array<i64: 1000, 1024>}, {transform_indices = @transform_7, window_bounds = array<i64: 1024, 20>}]} {
    %iota3A = tpu.iota {dimensions = array<i32: 1>} : vector<1024x128xi32>
    %jit3A = arith.constant 32 : i32
    %div3A = vector.broadcast %jit3A : i32 to vector<1024x128xi32>
    %div3A_0 = arith.divsi %iota3A, %div3A : vector<1024x128xi32>
    %sign3A = arith.constant 0 : i32
    %sign3A_1 = vector.broadcast %sign3A : i32 to vector<1024x128xi32>
    %sign3A_2 = arith.cmpi sgt, %iota3A, %sign3A_1 : vector<1024x128xi32>
    %sign3A_3 = arith.extui %sign3A_2 : vector<1024x128xi1> to vector<1024x128xi32>
    %sign3A_4 = arith.constant 0 : i32
    %sign3A_5 = vector.broadcast %sign3A_4 : i32 to vector<1024x128xi32>
    %sign3A_6 = arith.cmpi slt, %iota3A, %sign3A_5 : vector<1024x128xi32>
    %sign3A_7 = arith.extui %sign3A_6 : vector<1024x128xi1> to vector<1024x128xi32>
    %sign3A_8 = arith.subi %sign3A_3, %sign3A_7 : vector<1024x128xi32>
    %sign3A_9 = arith.constant 0 : i32
    %sign3A_10 = arith.cmpi sgt, %jit3A, %sign3A_9 : i32
    %sign3A_11 = arith.extui %sign3A_10 : i1 to i32
    %sign3A_12 = arith.constant 0 : i32
    %sign3A_13 = arith.cmpi slt, %jit3A, %sign3A_12 : i32
    %sign3A_14 = arith.extui %sign3A_13 : i1 to i32
    %sign3A_15 = arith.subi %sign3A_11, %sign3A_14 : i32
    %ne3A = vector.broadcast %sign3A_15 : i32 to vector<1024x128xi32>
    %ne3A_16 = arith.cmpi ne, %sign3A_8, %ne3A : vector<1024x128xi32>
    %rem3A = vector.broadcast %jit3A : i32 to vector<1024x128xi32>
    %rem3A_17 = arith.remsi %iota3A, %rem3A : vector<1024x128xi32>
    %ne3A_18 = arith.constant 0 : i32
    %ne3A_19 = vector.broadcast %ne3A_18 : i32 to vector<1024x128xi32>
    %ne3A_20 = arith.cmpi ne, %rem3A_17, %ne3A_19 : vector<1024x128xi32>
    %and3A = arith.andi %ne3A_16, %ne3A_20 : vector<1024x128xi1>
    %sub3A = arith.constant 1 : i32
    %sub3A_21 = vector.broadcast %sub3A : i32 to vector<1024x128xi32>
    %sub3A_22 = arith.subi %div3A_0, %sub3A_21 : vector<1024x128xi32>
    %select_n3A = arith.select %and3A, %sub3A_22, %div3A_0 : vector<1024x128xi1>, vector<1024x128xi32>
    %get3A = arith.constant 0 : index
    %get3A_23 = arith.constant 0 : index
    %get3A_24 = vector.load %arg2[%get3A, %get3A_23] : memref<1024x1xi32, #tpu.memory_space<vmem>>, vector<1024x1xi32>
    %eq3A = vector.broadcast %get3A_24 : vector<1024x1xi32> to vector<1024x128xi32>
    %eq3A_25 = arith.cmpi eq, %select_n3A, %eq3A : vector<1024x128xi32>
    %convert_element_type3A = arith.extui %eq3A_25 : vector<1024x128xi1> to vector<1024x128xi32>
    %convert_element_type3A_26 = arith.sitofp %convert_element_type3A : vector<1024x128xi32> to vector<1024x128xf32>
    %get3A_27 = arith.constant 0 : index
    %get3A_28 = arith.constant 0 : index
    %get3A_29 = vector.load %arg3[%get3A_27, %get3A_28] : memref<1024x1xi32, #tpu.memory_space<vmem>>, vector<1024x1xi32>
    %eq3A_30 = vector.broadcast %get3A_29 : vector<1024x1xi32> to vector<1024x128xi32>
    %eq3A_31 = arith.cmpi eq, %select_n3A, %eq3A_30 : vector<1024x128xi32>
    %convert_element_type3A_32 = arith.extui %eq3A_31 : vector<1024x128xi1> to vector<1024x128xi32>
    %convert_element_type3A_33 = arith.sitofp %convert_element_type3A_32 : vector<1024x128xi32> to vector<1024x128xf32>
    %get3A_34 = arith.constant 0 : index
    %get3A_35 = arith.constant 0 : index
    %get3A_36 = vector.load %arg4[%get3A_34, %get3A_35] : memref<1024x128xf32, #tpu.memory_space<vmem>>, vector<1024x128xf32>
    %mul3A = arith.mulf %get3A_36, %convert_element_type3A_26 : vector<1024x128xf32>
    %get3A_37 = arith.constant 0 : index
    %get3A_38 = arith.constant 0 : index
    %get3A_39 = vector.load %arg5[%get3A_37, %get3A_38] : memref<1024x128xf32, #tpu.memory_space<vmem>>, vector<1024x128xf32>
    %mul3A_40 = arith.mulf %get3A_39, %convert_element_type3A_33 : vector<1024x128xf32>
    %concatenate3A = tpu.concatenate %mul3A, %mul3A_40 in 1 : vector<1024x128xf32>, vector<1024x128xf32> -> vector<1024x256xf32>
    %get3A_41 = arith.constant 0 : index
    %get3A_42 = arith.constant 0 : index
    %get3A_43 = vector.load %arg6[%get3A_41, %get3A_42] : memref<256x1000xf32, #tpu.memory_space<vmem>>, vector<256x1000xf32>
    %dot_general3A = arith.constant dense<0.000000e+00> : vector<1000x1024xf32>
    %dot_general3A_44 = tpu.matmul %get3A_43, %concatenate3A, %dot_general3A {dimension_numbers = #tpu.dot_dimension_numbers<[0], [1], [1], [0], [0, 1, 1, 0], [], []>, transpose_lhs_hint = false} : vector<256x1000xf32>, vector<1024x256xf32>, vector<1000x1024xf32> -> vector<1000x1024xf32>
    %swap3A = arith.constant 0 : index
    %swap3A_45 = arith.constant 0 : index
    %swap3A_46 = vector.load %arg7[%swap3A, %swap3A_45] : memref<1000x1024xf32, #tpu.memory_space<vmem>>, vector<1000x1024xf32>
    tpu.vector_store %arg7[%swap3A, %swap3A_45], %dot_general3A_44 {strides = array<i32>} : memref<1000x1024xf32, #tpu.memory_space<vmem>>, vector<1000x1024xf32>,
    %iota3A_47 = tpu.iota {dimensions = array<i32: 1>} : vector<1024x20xi32>
    %get3A_48 = arith.constant 0 : index
    %get3A_49 = arith.constant 0 : index
    %get3A_50 = vector.load %arg1[%get3A_48, %get3A_49] : memref<1024x1xi32, #tpu.memory_space<vmem>>, vector<1024x1xi32>
    %ge3A = vector.broadcast %get3A_50 : vector<1024x1xi32> to vector<1024x20xi32>
    %ge3A_51 = arith.cmpi sge, %iota3A_47, %ge3A : vector<1024x20xi32>
    %swap3A_52 = arith.constant 0 : index
    %swap3A_53 = arith.constant 0 : index
    %swap3A_54 = vector.load %arg8[%swap3A_52, %swap3A_53] : memref<1024x20xi32, #tpu.memory_space<vmem>>, vector<1024x20xi32>
    %swap3A_55 = arith.extui %ge3A_51 : vector<1024x20xi1> to vector<1024x20xi32>
    %swap3A_56 = arith.constant dense<0> : vector<1024x20xi32>
    %swap3A_57 = arith.cmpi ne, %swap3A_54, %swap3A_56 : vector<1024x20xi32>
    tpu.vector_store %arg8[%swap3A_52, %swap3A_53], %swap3A_55 {strides = array<i32>} : memref<1024x20xi32, #tpu.memory_space<vmem>>, vector<1024x20xi32>,
    return
  }
  func.func @transform_0(%arg0: i32) -> (i32, i32) {
    %c0_i32 = arith.constant 0 : i32
    %c0_i32_0 = arith.constant 0 : i32
    return %arg0, %c0_i32 : i32, i32
  }
  func.func @transform_1(%arg0: i32) -> (i32, i32) {
    %c0_i32 = arith.constant 0 : i32
    %c0_i32_0 = arith.constant 0 : i32
    return %arg0, %c0_i32 : i32, i32
  }
  func.func @transform_2(%arg0: i32) -> (i32, i32) {
    %c0_i32 = arith.constant 0 : i32
    %c0_i32_0 = arith.constant 0 : i32
    return %arg0, %c0_i32 : i32, i32
  }
  func.func @transform_3(%arg0: i32) -> (i32, i32) {
    %c0_i32 = arith.constant 0 : i32
    %c0_i32_0 = arith.constant 0 : i32
    return %arg0, %c0_i32 : i32, i32
  }
  func.func @transform_4(%arg0: i32) -> (i32, i32) {
    %c0_i32 = arith.constant 0 : i32
    %c0_i32_0 = arith.constant 0 : i32
    return %arg0, %c0_i32 : i32, i32
  }
  func.func @transform_5(%arg0: i32) -> (i32, i32) {
    %c0_i32 = arith.constant 0 : i32
    %c0_i32_0 = arith.constant 0 : i32
    %c0_i32_1 = arith.constant 0 : i32
    return %c0_i32, %c0_i32_0 : i32, i32
  }
  func.func @transform_6(%arg0: i32) -> (i32, i32) {
    %c0_i32 = arith.constant 0 : i32
    %c0_i32_0 = arith.constant 0 : i32
    return %c0_i32, %arg0 : i32, i32
  }
  func.func @transform_7(%arg0: i32) -> (i32, i32) {
    %c0_i32 = arith.constant 0 : i32
    %c0_i32_0 = arith.constant 0 : i32
    return %arg0, %c0_i32 : i32, i32
  }
}

</mosaic_0001>

<sc_bundles>
// kernel: kernel.4.cloned.1.call-start
scs
__scs_entry_jumppad:
0x0: {  	(pc) =	sbr.rel $0x88, $3  }
0x1: {  	(tag) =	ssettag $0x0;
	lr =	simm.s32 $0x1  }
0x2: {  	[smem:$0x3F9A] =	sst lr;
	_ =	strace $0xD0000000  }
0x3: {  	_ = 	snop  }
0x4: {  	_ = 	snop  }
0x5: {  	_ = 	snop  }
0x6: {  	_ = 	snop  }
0x7: {  	_ = 	snop  }
__scs_overlays_trampoline_lowered:
0x8: {  	[smem:$0x3FA9] =	sst s0  }
0x9: {  	[smem:$0x3FAA] =	sst s1  }
0xa: {  	[smem:$0x3FAB] =	sst s2  }
0xb: {  	[smem:$0x3FAC] =	sst s3  }
0xc: {  	[smem:$0x3FAD] =	sst s4  }
0xd: {  	[smem:$0x3FAE] =	sst s5  }
0xe: {  	[smem:$0x3FAF] =	sst s6  }
0xf: {  	[smem:$0x3FB0] =	sst s7  }
0x10: {  	[smem:$0x3FB1] =	sst s8  }
0x11: {  	[smem:$0x3FB2] =	sst s9;
	s0 =	simm.s32 @!p0 $0x0  }
0x12: {  	s1 =	sld [smem:$0x3F98];
	s0 =	simm.s32 @p0 $0x1  }
0x13: {  	[smem:$0x3FB3] =	sst s0;
	s0 =	simm.s32 @!p1 $0x0  }
0x14: {  	s2 =	sld [smem:$0x3F97];
	s0 =	simm.s32 @p1 $0x1  }
0x15: {  	[smem:$0x3FB4] =	sst s0;
	s0 =	simm.s32 @!p2 $0x0  }
0x16: {  	s3 =	sld [smem:$0x3FDB];
	s0 =	simm.s32 @p2 $0x1  }
0x17: {  	s4 =	simm.s32 $0x1BF5;
	[smem:$0x3FB6] =	sst s0  }
0x18: {  	s0 =	sld [smem:$0x3F99];
	_ =	swait.ge [sflag:s4], $0x0  }
0x19: {  	s7 =	sld [smem:$0x3F9A]  }
0x1a: {  	s8 =	sadd.s32 $0xFFFFE003, lr  }
0x1b: {  	s9 =	sadd.s32 $0xFFFFFEF7, lr;
	s5 =	simm.s32 $0xFFFFFFFF;
	p2 =	slt.u32 s8, $0xFFFFF086  }
0x1c: {  	p1 =	slt.u32 s9, $0xF7A;
	s5 =	simm.s32 @!p2 $0x0  }
0x1d: {  	s5 =	simm.s32 @p1 $0x1;
	p0 =	seq.s32 s7, s2  }
0x1e: {  	s7 =	smul.u32 @!p0 $0xF7A, s2;
	p2 =	seq.s32 @!p0 s5, $0x0  }
0x1f: {  	s9 =	smul.u32 $0xF7A, s1;
	s8 =	simm.s32 @!p0 $0x1BF5;
	p2 =	por !p2, p0  }
0x20: {  	[sflag:s8] =	ssyncset.s32 @!p0 $0xFFFFF086;
	s6 =	sadd.s32 @!p0 s3, s7;
	s7 =	simm.s32 @!p0 $0x108  }
0x21: {  	s3 =	sadd.s32 s3, s9;
	s6 =	sadd.s32 @!p0 $0x88, s6;
	s7 =	simm.s32 @p2 $0x1082  }
0x22: {  	[simem:s7], [sflag:s8] =	dma.local @!p0 [hbm:s6], $0xF7A  }
0x23: {  	s9 =	sor.u32 $0xD0000000, s2;
	s6 =	simm.s32 $0x108;
	_ =	swait.ge @!p0 [sflag:s8], $0x0  }
0x24: {  	s3 =	sadd.s32 $0x88, s3;
	s6 =	simm.s32 @!p1 $0x1082;
	[sflag:s4] =	ssyncset.s32 $0xFFFFF086  }
0x25: {  	[simem:s6], [sflag:s4] =	dma.local [hbm:s3], $0xF7A  }
0x26: {  	[smem:$0x3F9A] =	sst s1;
	(tag) =	ssettag s2;
	_ =	strace s9  }
0x27: {  	s1 =	sld [smem:$0x3FAA]  }
0x28: {  	s2 =	sld [smem:$0x3FAB]  }
0x29: {  	s4 =	sld [smem:$0x3FAD]  }
0x2a: {  	p0 =	seq.s32 s5, $0x0;
	s5 =	sld [smem:$0x3FAE]  }
0x2b: {  	s6 =	sld [smem:$0x3FAF]  }
0x2c: {  	s7 =	sld [smem:$0x3FB0]  }
0x2d: {  	s3 =	simm.s32 $0x108;
	s8 =	sld [smem:$0x3FB1]  }
0x2e: {  	s3 =	simm.s32 @!p0 $0x1082;
	s9 =	sld [smem:$0x3FB2]  }
0x2f: {  	lr =	sadd.s32 s0, s3;
	s0 =	sld [smem:$0x3FA9]  }
0x30: {  	s3 =	sld [smem:$0x3FAC]  }
0x31: {  	[smem:$0x3FB5] =	sst s10  }
0x32: {  	s10 =	sld [smem:$0x3FB3];
	_ =	sdelay $0x3  }
0x33: {  	p0 =	seq.s32 s10, $0x1;
	s10 =	sld [smem:$0x3FB5];
	_ =	sdelay $0x3  }
0x34: {  	[smem:$0x3FB5] =	sst s10  }
0x35: {  	s10 =	sld [smem:$0x3FB4];
	_ =	sdelay $0x3  }
0x36: {  	p1 =	seq.s32 s10, $0x1;
	s10 =	sld [smem:$0x3FB5];
	_ =	sdelay $0x3  }
0x37: {  	[smem:$0x3FB5] =	sst s10  }
0x38: {  	s10 =	sld [smem:$0x3FB6]  }
0x39: {  	_ = 	snop;
	(pc) =	sbr.ind lr, $3  }
0x3a: {  	_ = 	snop  }
0x3b: {  	_ = 	snop  }
0x3c: {  	p2 =	seq.s32 s10, $0x1;
	s10 =	sld [smem:$0x3FB5]  }
0x3d: {  	_ =	shalt  }
0x3e: {  	_ =	shalt  }
0x3f: {  	_ =	shalt  }
0x40: {  	_ =	shalt  }
0x41: {  	_ =	shalt  }
0x42: {  	_ =	shalt  }
0x43: {  	_ =	shalt  }
0x44: {  	_ =	shalt  }
0x45: {  	_ =	shalt  }
0x46: {  	_ =	shalt  }
0x47: {  	_ =	shalt  }
0x48: {  	_ =	shalt  }
0x49: {  	_ =	shalt  }
0x4a: {  	_ =	shalt  }
0x4b: {  	_ =	shalt  }
0x4c: {  	_ =	shalt  }
0x4d: {  	_ =	shalt  }
0x4e: {  	_ =	shalt  }
0x4f: {  	_ =	shalt  }
0x50: {  	_ =	shalt  }
0x51: {  	_ =	shalt  }
0x52: {  	_ =	shalt  }
0x53: {  	_ =	shalt  }
0x54: {  	_ =	shalt  }
0x55: {  	_ =	shalt  }
0x56: {  	_ =	shalt  }
0x57: {  	_ =	shalt  }
0x58: {  	_ =	shalt  }
0x59: {  	_ =	shalt  }
0x5a: {  	_ =	shalt  }
0x5b: {  	_ =	shalt  }
0x5c: {  	_ =	shalt  }
0x5d: {  	_ =	shalt  }
0x5e: {  	_ =	shalt  }
0x5f: {  	_ =	shalt  }
0x60: {  	_ =	shalt  }
0x61: {  	_ =	shalt  }
0x62: {  	_ =	shalt  }
0x63: {  	_ =	shalt  }
0x64: {  	_ =	shalt  }
0x65: {  	_ =	shalt  }
0x66: {  	_ =	shalt  }
0x67: {  	_ =	shalt  }
0x68: {  	_ =	shalt  }
0x69: {  	_ =	shalt  }
0x6a: {  	_ =	shalt  }
0x6b: {  	_ =	shalt  }
0x6c: {  	_ =	shalt  }
0x6d: {  	_ =	shalt  }
0x6e: {  	_ =	shalt  }
0x6f: {  	_ =	shalt  }
0x70: {  	_ =	shalt  }
0x71: {  	_ =	shalt  }
0x72: {  	_ =	shalt  }
0x73: {  	_ =	shalt  }
0x74: {  	_ =	shalt  }
0x75: {  	_ =	shalt  }
0x76: {  	_ =	shalt  }
0x77: {  	_ =	shalt  }
0x78: {  	_ =	shalt  }
0x79: {  	_ =	shalt  }
0x7a: {  	_ =	shalt  }
0x7b: {  	_ =	shalt  }
0x7c: {  	_ =	shalt  }
0x7d: {  	_ =	shalt  }
0x7e: {  	_ =	shalt  }
0x7f: {  	_ =	shalt  }
0x80: {  	_ =	shalt  }
0x81: {  	_ =	shalt  }
0x82: {  	_ =	shalt  }
0x83: {  	_ =	shalt  }
0x84: {  	_ =	shalt  }
0x85: {  	_ =	shalt  }
0x86: {  	_ =	shalt  }
0x87: {  	_ =	shalt  }
.Lfunc_end0:
.L_simem_size_0:
called_computation_lowered:
.L_overlay_start_0:
0x88: {  	s2 =	sld [smem:$0x3FD9]  }
0x89: {  	s3 =	sld [smem:$0x3FFE];
	_ =	sdelay $0x1  }
0x8a: {  	s1 =	srdreg.scid  }
0x8b: {  	s0 =	sand.u32 $0x1, s1  }
0x8c: {  	s14 =	sshll.u32 s0, $0xA;
	s2 =	sadd.s32 s3, s2  }
0x8d: {  	s2 =	sadd.s32 s2, s14  }
0x8e: {  	[smem:$0x3FC1] =	sst s2  }
0x8f: {  	_ = 	snop  }
0x90: {  	s2 =	sld [smem:$0x3FD0];
	_ =	sdelay $0x2  }
0x91: {  	s15 =	simm.s32 $0xA;
	s4 =	simm.s32 $0x10  }
0x92: {  	[smem:s4], [sflag:s15] =	dma.local [hbm:s2], $0x1  }
0x93: {  	_ =	swait.eq [sflag:s15], $0x1  }
0x94: {  	[sflag:s15] =	ssyncset.done $0x0  }
0x95: {  	[sflag:s15] =	ssyncadd.s32 $0xFFFFFFFF  }
0x96: {  	s16 =	sld [smem:$0x11];
	(tm) =	ssettm $0x1  }
0x97: {  	s17 =	sld [smem:$0x3FFB];
	_ =	sdelay $0x3  }
0x98: {  	_ =	strace s17  }
0x99: {  	s3 =	sld [smem:$0x3FFC];
	_ =	sdelay $0x3  }
0x9a: {  	_ =	strace s3  }
0x9b: {  	s3 =	sld [smem:$0x3FFD];
	_ =	sdelay $0x3  }
0x9c: {  	_ =	strace s3  }
0x9d: {  	_ =	strace $0x8FFFFFFF  }
0x9e: {  	s18 =	sld [smem:$0x3FDB];
	_ =	sdelay $0x1  }
0x9f: {  	s19 =	simm.s32 $_scs_section_size  }
0xa0: {  	s5 =	simm.s32 $_size__tile_overlayer_lowered;
	s6 =	simm.s32 $_tile_overlayer_lowered  }
0xa1: {  	s22 =	simm.s32 $0x1BFF;
	s21 =	sshll.u32 s6, $0x1;
	s3 =	sadd.s32 s19, s18  }
0xa2: {  	s7 =	simm.s32 $0x0;
	s20 =	sshll.u32 s5, $0x1;
	s5 =	sadd.s32 s21, s3  }
0xa3: {  	[timem:s7], [sflag:s22] =	dma.local [hbm:s5], s20  }
0xa4: {  	_ =	swait.ge [sflag:s22], s20  }
0xa5: {  	s4 =	ssub.s32 $0x0, s20;
	[sflag:s22] =	ssyncset.done $0x0  }
0xa6: {  	[sflag:s22] =	ssyncadd.s32 s4;
	_ =	sdelay $0x1  }
0xa7: {  	s23 =	simm.s32 $0x1B8B  }
0xa8: {  	_ =	swait.ge [sflag:s23], $0x1  }
0xa9: {  	[sflag:s23] =	ssyncset.done $0x0  }
0xaa: {  	s25 =	simm.s32 $0x1B8E;
	s24 =	sld [smem:$0x3FFE];
	[sflag:s23] =	ssyncadd.s32 $0xFFFFFFFF  }
0xab: {  	s26 =	simm.s32 $execute0_lowered;
	[smem:$0x3FD2] =	sst s25  }
0xac: {  	s5 =	sshll.u32 s26, $0x1;
	_ =	strace $0x80000046;
	[dreg:$0x1] =	wrdreg $0xFFFFFFFF  }
0xad: {  	s28 =	simm.s32 $_size_execute0_lowered;
	s3 =	sadd.s32 s3, s5;
	[dreg:$0x0] =	wrdreg $0x0  }
0xae: {  	s5 =	sshll.u32 s28, $0x1;
	[dreg:$0x2] =	wrdreg s3  }
0xaf: {  	[dreg:$0x3] =	wrdreg s5  }
0xb0: {  	[dreg:$0x4] =	wrdreg $0xC0  }
0xb1: {  	_ =	task [dreg:s7], $0x5FFFF  }
0xb2: {  	[dreg:$0x1] =	wrdreg $0xFFFFFFFF  }
0xb3: {  	[dreg:$0x0] =	wrdreg $0x60  }
0xb4: {  	[dreg:$0x2] =	wrdreg s24  }
0xb5: {  	[dreg:$0x3] =	wrdreg s16  }
0xb6: {  	[dreg:$0x4] =	wrdreg $0x9  }
0xb7: {  	_ =	task.clear_ibuf [dreg:s7], $0x5FFFF;
	_ =	strace $0x90000046  }
0xb8: {  	s29 =	simm.s32 $0x9;
	_ =	strace $0x80000048  }
0xb9: {  	_ =	swait.ge [sflag:s29], $0x1  }
0xba: {  	[sflag:s29] =	ssyncadd.s32 $0xFFFFFFFF  }
0xbb: {  	_ =	strace $0x90000048  }
0xbc: {  	_ =	sfence  }
0xbd: {  	s30 =	sld [smem:$0x0];
	_ =	sdelay $0x2  }
0xbe: {  	s31 =	sshll.u32 s1, $0xD;
	s1 =	sshrl.u32 s1, $0x2  }
0xbf: {  	s3 =	sand.u32 $0x4000, s31;
	s1 =	sadd.s32 s1, s30  }
0xc0: {  	s0 =	sor.u32 s3, s0;
	s1 =	sshll.u32 s1, $0x11  }
0xc1: {  	s0 =	sor.u32 s1, s0  }
0xc2: {  	s0 =	sadd.s32 $0x8F2B, s0  }
0xc3: {  	[sflag:s0] =	ssyncadd.remote.s32 $0x1  }
0xc4: {  	_ =	sfence.sel $0xFFFF  }
0xc5: {  	[dreg:$0x0] =	wrdreg $0xFFFFFFFF;
	(pc) =	sbr.abs _section_cstart, $3  }
0xc6: {  	[dreg:$0x1] =	wrdreg $0xFFFFFFFF  }
0xc7: {  	_ =	task.clear_ibuf [dreg:s7], $0x2FFFF;
	_ =	strace $0x9FFFFFFF  }
0xc8: {  	(tm) =	ssettm $0x7FFFFFFF  }
0xc9: {  	_ =	shalt  }
tec
execute0_lowered:
.L_overlay_start_1:
0x0: {  	(tag) =	ssettag $0x1  }
0x1: {  	s1 =	srdreg.scid  }
0x2: {  	s16 =	rddreg [dreg:$0x0];
	s0 =	stileid.u32;
	s17 =	sand.u32 $0x1, s1  }
0x3: {  	s15 =	rddreg [dreg:$0x1];
	s3 =	sshll.u32 s0, $0x7;
	s4 =	sshll.u32 s17, $0x6  }
0x4: {  	s2 =	simm.s32 $0x0;
	s1 =	rddreg [dreg:$0x2];
	s18 =	sor.u32 s4, s3  }
0x5: {  	[smem:$0x7FF] =	sst s2;
	s3 =	sadd.s32 s18, s16  }
0x6: {  	_ =	strace $0x80000047;
	s4 =	sadd.s32 $0x2200, s3;
	s3 =	simm.s32 $0x2  }
0x7: {  	[tilespmem:s2], [sflag:$0x2] =	stream.linear.gather [hbm4b:s4+s2], $0x200, $0x38;
	[tilespmem:$0x10200] =	vst v63  }
0x8: {  	_ =	swait.ge [sflag:s3], $0x200  }
0x9: {  	s6 =	simm.s32 $0x80;
	[sflag:s3] =	ssyncset.done $0x0  }
0xa: {  	s7 =	simm.s32 $0x200;
	s5 =	sadd.s32 $0xF43E00, s16;
	[sflag:s3] =	ssyncadd.s32 $0xFFFFFE00  }
0xb: {  	[tilespmem:s7], [sflag:$0x1] =	stream.indirect.gather [hbm4b:s5+s6], $0x80, s2, s6, $0xb8;
	[tilespmem:$0x10200] =	vst v63  }
0xc: {  	s8 =	simm.s32 $0x4200  }
0xd: {  	[tilespmem:s8], [sflag:$0x1] =	stream.indirect.gather [hbm4b:s5+s6], $0x80, s6, s6, $0xb8;
	[tilespmem:$0x10200] =	vst v63  }
0xe: {  	s9 =	simm.s32 $0x100;
	s10 =	simm.s32 $0x8200  }
0xf: {  	[tilespmem:s10], [sflag:$0x1] =	stream.indirect.gather [hbm4b:s5+s6], $0x80, s9, s6, $0xb8;
	[tilespmem:$0x10200] =	vst v63  }
0x10: {  	s11 =	simm.s32 $0x180;
	s12 =	simm.s32 $0xC200;
	s13 =	simm.s32 $0x1  }
0x11: {  	[tilespmem:s12], [sflag:$0x1] =	stream.indirect.gather [hbm4b:s5+s6], $0x80, s11, s6, $0xb8;
	[tilespmem:$0x10200] =	vst v63  }
0x12: {  	_ =	swait.ge [sflag:s13], $0x4000  }
0x13: {  	[sflag:s13] =	ssyncset.done $0x0  }
0x14: {  	[sflag:s13] =	ssyncadd.s32 $0xFFFFC000  }
0x15: {  	_ =	swait.ge [sflag:s13], $0x4000  }
0x16: {  	[sflag:s13] =	ssyncset.done $0x0  }
0x17: {  	[sflag:s13] =	ssyncadd.s32 $0xFFFFC000  }
0x18: {  	_ =	swait.ge [sflag:s13], $0x4000  }
0x19: {  	[sflag:s13] =	ssyncset.done $0x0  }
0x1a: {  	s14 =	sshll.u32 s0, $0xE;
	s19 =	sshll.u32 s17, $0xD;
	[sflag:s13] =	ssyncadd.s32 $0xFFFFC000  }
0x1b: {  	s14 =	sor.u32 s19, s14;
	_ =	swait.ge [sflag:s13], $0x4000  }
0x1c: {  	s19 =	sadd.s32 s14, s16;
	[sflag:s13] =	ssyncset.done $0x0  }
0x1d: {  	s14 =	sadd.s32 $0x2A00, s19;
	[sflag:s13] =	ssyncadd.s32 $0xFFFFC000  }
0x1e: {  	[hbm4b:s14+s2] =	stream.linear.scatter [tilespmem:s7], [sflag:$0x2], $0x10000, $0x38;
	[tilespmem:$0x10200] =	vst v63  }
0x1f: {  	_ =	swait.ge [sflag:s3], $0x10000  }
0x20: {  	[sflag:s3] =	ssyncset.done $0x0  }
0x21: {  	s15 =	sadd.s32 s15, s18;
	[sflag:s3] =	ssyncadd.s32 $0xFFFF0000  }
0x22: {  	[tilespmem:s2], [sflag:$0x2] =	stream.linear.gather [hbm4b:s15+s2], $0x200, $0x38;
	[tilespmem:$0x10200] =	vst v63  }
0x23: {  	_ =	swait.ge [sflag:s3], $0x200  }
0x24: {  	[sflag:s3] =	ssyncset.done $0x0  }
0x25: {  	s16 =	sadd.s32 $0x1314800, s16;
	[sflag:s3] =	ssyncadd.s32 $0xFFFFFE00  }
0x26: {  	[tilespmem:s7], [sflag:$0x1] =	stream.indirect.gather [hbm4b:s16+s6], $0x80, s2, s6, $0xb8;
	[tilespmem:$0x10200] =	vst v63  }
0x27: {  	_ = 	snop  }
0x28: {  	[tilespmem:s8], [sflag:$0x1] =	stream.indirect.gather [hbm4b:s16+s6], $0x80, s6, s6, $0xb8;
	[tilespmem:$0x10200] =	vst v63  }
0x29: {  	_ = 	snop  }
0x2a: {  	[tilespmem:s10], [sflag:$0x1] =	stream.indirect.gather [hbm4b:s16+s6], $0x80, s9, s6, $0xb8;
	[tilespmem:$0x10200] =	vst v63  }
0x2b: {  	_ = 	snop  }
0x2c: {  	[tilespmem:s12], [sflag:$0x1] =	stream.indirect.gather [hbm4b:s16+s6], $0x80, s11, s6, $0xb8;
	[tilespmem:$0x10200] =	vst v63  }
0x2d: {  	_ =	swait.ge [sflag:s13], $0x4000  }
0x2e: {  	[sflag:s13] =	ssyncset.done $0x0  }
0x2f: {  	[sflag:s13] =	ssyncadd.s32 $0xFFFFC000  }
0x30: {  	_ =	swait.ge [sflag:s13], $0x4000  }
0x31: {  	[sflag:s13] =	ssyncset.done $0x0  }
0x32: {  	s17 =	ssub.s32 $0x2, s17;
	[sflag:s13] =	ssyncadd.s32 $0xFFFFC000  }
0x33: {  	s31 =	sshrl.u32 s17, $0x1;
	_ =	swait.ge [sflag:s13], $0x4000  }
0x34: {  	s18 =	ssub.s32 s17, s31;
	[sflag:s13] =	ssyncset.done $0x0  }
0x35: {  	s18 =	smax.u32 s18, $0x1;
	[sflag:s13] =	ssyncadd.s32 $0xFFFFC000  }
0x36: {  	p0 =	sne.s32 s18, $0x1;
	_ =	swait.ge [sflag:s13], $0x4000  }
.Ltmp0:
0x37: {  	[sflag:s13] =	ssyncset.done $0x0;
	(pc) =	sbr.rel @!p0 .LBB2_2-.Ltmp0, $4  }
0x38: {  	s17 =	sadd.s32 $0x42A00, s19;
	[sflag:s13] =	ssyncadd.s32 $0xFFFFC000  }
0x39: {  	[hbm4b:s17+s2] =	stream.linear.scatter [tilespmem:s7], [sflag:$0x2], $0x10000, $0x38;
	[tilespmem:$0x10200] =	vst v63  }
0x3a: {  	_ =	swait.ge [sflag:s3], $0x10000  }
0x3b: {  	s18 =	sadd.s32 $0xFFFFFFFF, s18;
	[sflag:s3] =	ssyncset.done $0x0  }
.LBB2_1:
0x3c: {  	p0 =	sne.s32 s18, $0x1;
	s18 =	sadd.s32 $0xFFFFFFFF, s18;
	[sflag:s3] =	ssyncadd.s32 $0xFFFF0000  }
0x3d: {  	[tilespmem:s2], [sflag:$0x2] =	stream.linear.gather [hbm4b:s4+s2], $0x200, $0x38;
	[tilespmem:$0x10200] =	vst v63  }
0x3e: {  	_ =	swait.ge [sflag:s3], $0x200  }
0x3f: {  	[sflag:s3] =	ssyncset.done $0x0  }
0x40: {  	[sflag:s3] =	ssyncadd.s32 $0xFFFFFE00  }
0x41: {  	[tilespmem:s7], [sflag:$0x1] =	stream.indirect.gather [hbm4b:s5+s6], $0x80, s2, s6, $0xb8;
	[tilespmem:$0x10200] =	vst v63  }
0x42: {  	_ = 	snop  }
0x43: {  	[tilespmem:s8], [sflag:$0x1] =	stream.indirect.gather [hbm4b:s5+s6], $0x80, s6, s6, $0xb8;
	[tilespmem:$0x10200] =	vst v63  }
0x44: {  	_ = 	snop  }
0x45: {  	[tilespmem:s10], [sflag:$0x1] =	stream.indirect.gather [hbm4b:s5+s6], $0x80, s9, s6, $0xb8;
	[tilespmem:$0x10200] =	vst v63  }
0x46: {  	_ = 	snop  }
0x47: {  	[tilespmem:s12], [sflag:$0x1] =	stream.indirect.gather [hbm4b:s5+s6], $0x80, s11, s6, $0xb8;
	[tilespmem:$0x10200] =	vst v63  }
0x48: {  	_ =	swait.ge [sflag:s13], $0x4000  }
0x49: {  	[sflag:s13] =	ssyncset.done $0x0  }
0x4a: {  	[sflag:s13] =	ssyncadd.s32 $0xFFFFC000  }
0x4b: {  	_ =	swait.ge [sflag:s13], $0x4000  }
0x4c: {  	[sflag:s13] =	ssyncset.done $0x0  }
0x4d: {  	[sflag:s13] =	ssyncadd.s32 $0xFFFFC000  }
0x4e: {  	_ =	swait.ge [sflag:s13], $0x4000  }
0x4f: {  	[sflag:s13] =	ssyncset.done $0x0  }
0x50: {  	[sflag:s13] =	ssyncadd.s32 $0xFFFFC000  }
0x51: {  	_ =	swait.ge [sflag:s13], $0x4000  }
0x52: {  	[sflag:s13] =	ssyncset.done $0x0  }
0x53: {  	[sflag:s13] =	ssyncadd.s32 $0xFFFFC000  }
0x54: {  	[hbm4b:s14+s2] =	stream.linear.scatter [tilespmem:s7], [sflag:$0x2], $0x10000, $0x38;
	[tilespmem:$0x10200] =	vst v63  }
0x55: {  	_ =	swait.ge [sflag:s3], $0x10000  }
0x56: {  	[sflag:s3] =	ssyncset.done $0x0  }
0x57: {  	[sflag:s3] =	ssyncadd.s32 $0xFFFF0000  }
0x58: {  	[tilespmem:s2], [sflag:$0x2] =	stream.linear.gather [hbm4b:s15+s2], $0x200, $0x38;
	[tilespmem:$0x10200] =	vst v63  }
0x59: {  	_ =	swait.ge [sflag:s3], $0x200  }
0x5a: {  	[sflag:s3] =	ssyncset.done $0x0  }
0x5b: {  	[sflag:s3] =	ssyncadd.s32 $0xFFFFFE00  }
0x5c: {  	[tilespmem:s7], [sflag:$0x1] =	stream.indirect.gather [hbm4b:s16+s6], $0x80, s2, s6, $0xb8;
	[tilespmem:$0x10200] =	vst v63  }
0x5d: {  	_ = 	snop  }
0x5e: {  	[tilespmem:s8], [sflag:$0x1] =	stream.indirect.gather [hbm4b:s16+s6], $0x80, s6, s6, $0xb8;
	[tilespmem:$0x10200] =	vst v63  }
0x5f: {  	_ = 	snop  }
0x60: {  	[tilespmem:s10], [sflag:$0x1] =	stream.indirect.gather [hbm4b:s16+s6], $0x80, s9, s6, $0xb8;
	[tilespmem:$0x10200] =	vst v63  }
0x61: {  	_ = 	snop  }
0x62: {  	[tilespmem:s12], [sflag:$0x1] =	stream.indirect.gather [hbm4b:s16+s6], $0x80, s11, s6, $0xb8;
	[tilespmem:$0x10200] =	vst v63  }
0x63: {  	_ =	swait.ge [sflag:s13], $0x4000  }
0x64: {  	[sflag:s13] =	ssyncset.done $0x0  }
0x65: {  	[sflag:s13] =	ssyncadd.s32 $0xFFFFC000  }
0x66: {  	_ =	swait.ge [sflag:s13], $0x4000  }
0x67: {  	[sflag:s13] =	ssyncset.done $0x0  }
0x68: {  	[sflag:s13] =	ssyncadd.s32 $0xFFFFC000  }
0x69: {  	_ =	swait.ge [sflag:s13], $0x4000  }
0x6a: {  	[sflag:s13] =	ssyncset.done $0x0  }
0x6b: {  	[sflag:s13] =	ssyncadd.s32 $0xFFFFC000  }
0x6c: {  	_ =	swait.ge [sflag:s13], $0x4000  }
.Ltmp1:
0x6d: {  	[sflag:s13] =	ssyncset.done $0x0;
	(pc) =	sbr.rel @p0 .LBB2_1-.Ltmp1, $4  }
0x6e: {  	[sflag:s13] =	ssyncadd.s32 $0xFFFFC000  }
0x6f: {  	[hbm4b:s17+s2] =	stream.linear.scatter [tilespmem:s7], [sflag:$0x2], $0x10000, $0x38;
	[tilespmem:$0x10200] =	vst v63  }
0x70: {  	_ =	swait.ge [sflag:s3], $0x10000  }
0x71: {  	[sflag:s3] =	ssyncset.done $0x0  }
.LBB2_2:
0x72: {  	[sflag:s3] =	ssyncadd.s32 $0xFFFF0000  }
0x73: {  	_ =	sfence.sel $0x180000  }
0x74: {  	[bflag:$0x0] =	sbarrier.arrive $0xFFFF  }
0x75: {  	p0 =	sne.s32 s0, $0x0;
	_ =	strace $0x90000047  }
0x76: {  	s0 =	sadd.s32 @!p0 $0x100000, s1;
	[bflag:$0x2] =	sbarrier.arrive $0xFFFF  }
0x77: {  	[sflag:s0] =	ssyncadd.tile.s32 @!p0 $0x1;
	_ =	shalt  }
.Lfunc_end2:
_tile_overlayer_lowered:
.L_overlay_start_2:
0x78: {  	(tag) =	ssettag $0x2  }
0x79: {  	s0 =	rddreg [dreg:$0x0];
	s2 =	stileid.u32  }
0x7a: {  	s1 =	rddreg [dreg:$0x1];
	p0 =	sne.s32 s2, $0x0  }
0x7b: {  	s3 =	rddreg [dreg:$0x2];
	[bflag:$0x3] =	sbarrier.arrive $0xFFFF;
	s2 =	simm.s32 @!p0 $0x1C02  }
0x7c: {  	[timem:s3], [sflag:s2] =	dma.local @!p0 [hbm:s0], s1  }
0x7d: {  	s0 =	simm.s32 @!p0 $0x2  }
0x7e: {  	_ =	swait.ge @!p0 [sflag:s0], s1  }
0x7f: {  	s1 =	ssub.s32 @!p0 $0x0, s1;
	[sflag:s0] =	ssyncset.done @!p0 $0x0  }
0x80: {  	[sflag:s0] =	ssyncadd.s32 @!p0 s1  }
0x81: {  	[bflag:$0x3] =	sbarrier.arrive $0xFFFF  }
0x82: {  	_ =	shalt  }

</sc_bundles>
